<compile_context>
chip_gen: v7x
topology: tpu7x:2x2x1
jax: 0.10.2.dev20260603
libtpu: 0.0.44.dev20260713+nightly
codegen_flags: <defaults>
</compile_context>

<pallas_src>
import functools

import jax
import jax.numpy as jnp
from jax import lax
from jax.experimental import pallas as pl
from jax.experimental.pallas import tpu as pltpu
from jax.experimental.pallas import tpu_sc as plsc

_WINDOW = 128


def kernel(pos, pos_embeddings):
    batch, hist = pos.shape
    rows, dim = pos_embeddings.shape
    num_idx = batch * hist
    idx = pos.reshape(1, num_idx)

    mesh = plsc.VectorSubcoreMesh(core_axis_name="core", subcore_axis_name="subcore")

    @functools.partial(
        pl.kernel,
        out_type=jax.ShapeDtypeStruct((num_idx, dim), pos_embeddings.dtype),
        mesh=mesh,
        scratch_types=[pltpu.VMEM_SHARED((rows, dim), pos_embeddings.dtype)],
        compiler_params=pltpu.CompilerParams(use_tc_tiling_on_sc=False),
    )
    def gather_kernel(table_hbm, i_hbm, o_hbm, table_sp):
        @pl.when(lax.axis_index("subcore") == 0)
        def _():
            pltpu.sync_copy(table_hbm, table_sp)

        plsc.subcore_barrier()

        def body(i_vmem, o_vmem):
            pltpu.sync_copy(table_sp.at[i_vmem.at[0]], o_vmem)

        pltpu.emit_pipeline(
            body,
            grid=(num_idx // _WINDOW,),
            in_specs=[pl.BlockSpec((1, _WINDOW), lambda i: (0, i))],
            out_specs=[pl.BlockSpec((_WINDOW, dim), lambda i: (i, 0))],
            core_axis_name=("core", "subcore"),
            dimension_semantics=(pltpu.PARALLEL,),
        )(i_hbm, o_hbm)

    out = gather_kernel(pos_embeddings, idx)
    return out.reshape(batch, hist, dim)

# --- scband reference (transcript-rebuilt; emitter-appended) ---
"""Pipeline reference for scband-sub-pos-encode-60653528154390 (READ-ONLY COPY).

The authoritative reference and input builder live on the scoring server;
editing this copy changes nothing except your own understanding.
"""

import jax, jax.numpy as jnp
import numpy as np

SEQ_LEN = 200
EXPAND_DIM = 64
BATCH = 16384
HIST = 200

def setup_inputs(seed: int = 0) -> dict:
    key = jax.random.key(seed)
    k_pos, k_emb = jax.random.split(key)
    pos = jax.random.randint(k_pos, (BATCH, HIST), 0, SEQ_LEN, dtype=jnp.int32)
    # learned parameter: nn.Embedding weight, shape [num_embeddings, embedding_dim]
    pos_embeddings = jax.random.normal(k_emb, (SEQ_LEN, EXPAND_DIM), dtype=jnp.float32)
    return {"pos": pos, "pos_embeddings": pos_embeddings}

def reference(pos, pos_embeddings):
    # nn.Embedding forward: gather rows of the table by index
    ts_emb = jnp.take(pos_embeddings, pos, axis=0)
    return ts_emb

if __name__ == "__main__":
    import jax
    _d = setup_inputs()
    print(jax.jit(kernel)(*tuple(_d.values())))

</pallas_src>

<mosaic_0001>
#map = affine_map<(d0, d1) -> (0, 0)>
module attributes {stable_mosaic.version = 14 : i64} {
  func.func @gather_kernel(%arg0: i32, %arg1: i32, %arg2: memref<200x64xf32, #tpu.memory_space<hbm>>, %arg3: memref<1x3276800xi32, #tpu.memory_space<hbm>>, %arg4: memref<3276800x64xf32, #tpu.memory_space<hbm>>, %arg5: memref<200x64xf32, #tpu.memory_space<vmem_shared>>) attributes {dimension_semantics = [#tpu.dimension_semantics<core_parallel>, #tpu.dimension_semantics<subcore_parallel>], iteration_bounds = array<i64: 2, 16>, scalar_prefetch = 0 : i64, scratch_operands = 1 : i64, tpu.core_type = #tpu.core_type<sc_vector_subcore>, window_params = [{transform_indices = #map}, {transform_indices = #map}, {transform_indices = #map}]} {
    %eq3A = arith.constant 0 : i32
    %eq3A_0 = arith.cmpi eq, %arg1, %eq3A : i32
    %convert_element_type3A = arith.extui %eq3A_0 : i1 to i32
    %cond3A = arith.constant 0 : i32
    %cond3A_1 = arith.cmpi ne, %convert_element_type3A, %cond3A : i32
    scf.if %cond3A_1 {
      "tpu.region"() ({
        %run_scoped3A = tpu.sem_alloc : memref<!tpu.dma_semaphore, #tpu.memory_space<semaphore_mem>>
        tpu.enqueue_dma source(%arg2 : memref<200x64xf32, #tpu.memory_space<hbm>>) target(%arg5 : memref<200x64xf32, #tpu.memory_space<vmem_shared>>) target_semaphore(%run_scoped3A : memref<!tpu.dma_semaphore, #tpu.memory_space<semaphore_mem>>)
        tpu.wait_dma2 semaphore(%run_scoped3A : memref<!tpu.dma_semaphore, #tpu.memory_space<semaphore_mem>>) src(%arg2 : memref<200x64xf32, #tpu.memory_space<hbm>>) dst(%arg5 : memref<200x64xf32, #tpu.memory_space<vmem_shared>>)
        tpu.yield
      }) : () -> ()
    } else {
    }
    %barrier3A = arith.constant 0 : index
    tpu.barrier barrier_id(%barrier3A)
    %mul3A = arith.constant 1 : i32
    %mul3A_2 = arith.muli %arg1, %mul3A : i32
    %add3A = arith.constant 0 : i32
    %add3A_3 = arith.addi %add3A, %mul3A_2 : i32
    %mul3A_4 = arith.constant 16 : i32
    %mul3A_5 = arith.muli %arg0, %mul3A_4 : i32
    %add3A_6 = arith.addi %add3A_3, %mul3A_5 : i32
    %mul3A_7 = arith.constant 800 : i32
    %mul3A_8 = arith.muli %add3A_6, %mul3A_7 : i32
    "tpu.region"() ({
      %run_scoped3A = memref.alloca() : memref<2x1x128xi32, #tpu.memory_space<vmem>>
      %run_scoped3A_9 = tpu.sem_alloc : memref<2x!tpu.dma_semaphore, #tpu.memory_space<semaphore_mem>>
      %run_scoped3A_10 = memref.alloca() : memref<2x128x64xf32, #tpu.memory_space<vmem>>
      %run_scoped3A_11 = tpu.sem_alloc : memref<2x!tpu.dma_semaphore, #tpu.memory_space<semaphore_mem>>
      %add3A_12 = arith.constant 0 : i32
      %add3A_13 = arith.addi %add3A_12, %mul3A_8 : i32
      %select_n3A = arith.constant true
      %select_n3A_14 = arith.constant 0 : i32
      %select_n3A_15 = arith.constant -1 : i32
      %select_n3A_16 = arith.select %select_n3A, %select_n3A_15, %select_n3A_14 : i32
      %eq3A_17 = arith.constant -1 : i32
      %eq3A_18 = arith.cmpi eq, %select_n3A_16, %eq3A_17 : i32
      %select_n3A_19 = arith.constant 799 : i32
      %select_n3A_20 = arith.select %eq3A_18, %select_n3A_19, %select_n3A_16 : i32
      %add3A_21 = arith.addi %select_n3A_20, %mul3A_8 : i32
      %select_n3A_22 = arith.constant true
      %select_n3A_23 = arith.constant 0 : i32
      %select_n3A_24 = arith.constant 1 : i32
      %select_n3A_25 = arith.select %select_n3A_22, %select_n3A_24, %select_n3A_23 : i32
      %eq3A_26 = arith.constant 800 : i32
      %eq3A_27 = arith.cmpi eq, %select_n3A_25, %eq3A_26 : i32
      %select_n3A_28 = arith.constant 0 : i32
      %select_n3A_29 = arith.select %eq3A_27, %select_n3A_28, %select_n3A_25 : i32
      %add3A_30 = arith.addi %select_n3A_29, %mul3A_8 : i32
      %add3A_31 = arith.constant 1 : i32
      %add3A_32 = arith.addi %select_n3A_29, %add3A_31 : i32
      %select_n3A_33 = arith.constant true
      %select_n3A_34 = arith.select %select_n3A_33, %add3A_32, %select_n3A_29 : i32
      %eq3A_35 = arith.constant 800 : i32
      %eq3A_36 = arith.cmpi eq, %select_n3A_34, %eq3A_35 : i32
      %select_n3A_37 = arith.constant 0 : i32
      %select_n3A_38 = arith.select %eq3A_36, %select_n3A_37, %select_n3A_34 : i32
      %add3A_39 = arith.addi %select_n3A_38, %mul3A_8 : i32
      "tpu.trace_start"() <{level = 10 : i32, message = "ep_initialize_0"}> : () -> ()
      %rem3A = arith.constant 0 : i32
      %rem3A_40 = arith.constant 2 : i32
      %rem3A_41 = arith.remui %rem3A, %rem3A_40 : i32
      %mul3A_42 = arith.constant 128 : i32
      %mul3A_43 = arith.muli %mul3A_42, %add3A_13 : i32
      %dma_start3A = arith.constant 0 : i32
      %dma_start3A_44 = arith.constant 0 : i32
      %dma_start3A_45 = tpu.memref_slice %run_scoped3A[%rem3A_41, %dma_start3A, %dma_start3A_44] : memref<2x1x128xi32, #tpu.memory_space<vmem>> -> memref<1x1x128xi32, #tpu.memory_space<vmem>>
      %dma_start3A_46 = tpu.memref_squeeze %dma_start3A_45 : memref<1x1x128xi32, #tpu.memory_space<vmem>> -> memref<1x128xi32, #tpu.memory_space<vmem>>
      %dma_start3A_47 = arith.constant 0 : i32
      %dma_start3A_48 = tpu.memref_slice %arg3[%dma_start3A_47, %mul3A_43] : memref<1x3276800xi32, #tpu.memory_space<hbm>> -> memref<1x128xi32, #tpu.memory_space<hbm>>
      %dma_start3A_49 = tpu.memref_slice %run_scoped3A_9[%rem3A_41] : memref<2x!tpu.dma_semaphore, #tpu.memory_space<semaphore_mem>> -> memref<1x!tpu.dma_semaphore, #tpu.memory_space<semaphore_mem>>
      %dma_start3A_50 = tpu.memref_squeeze %dma_start3A_49 : memref<1x!tpu.dma_semaphore, #tpu.memory_space<semaphore_mem>> -> memref<!tpu.dma_semaphore, #tpu.memory_space<semaphore_mem>>
      %dma_start3A_51 = arith.constant 0 : i32
      %dma_start3A_52 = arith.constant 0 : i32
      %dma_start3A_53 = tpu.memref_slice %run_scoped3A[%rem3A_41, %dma_start3A_51, %dma_start3A_52] : memref<2x1x128xi32, #tpu.memory_space<vmem>> -> memref<1x1x128xi32, #tpu.memory_space<vmem>>
      %dma_start3A_54 = tpu.memref_squeeze %dma_start3A_53 : memref<1x1x128xi32, #tpu.memory_space<vmem>> -> memref<1x128xi32, #tpu.memory_space<vmem>>
      %dma_start3A_55 = arith.constant 0 : i32
      %dma_start3A_56 = tpu.memref_slice %arg3[%dma_start3A_55, %mul3A_43] : memref<1x3276800xi32, #tpu.memory_space<hbm>> -> memref<1x128xi32, #tpu.memory_space<hbm>>
      tpu.enqueue_dma source(%dma_start3A_56 : memref<1x128xi32, #tpu.memory_space<hbm>>) target(%dma_start3A_54 : memref<1x128xi32, #tpu.memory_space<vmem>>) target_semaphore(%dma_start3A_50 : memref<!tpu.dma_semaphore, #tpu.memory_space<semaphore_mem>>)
      %add3A_57 = arith.constant 0 : i32
      %add3A_58 = arith.constant 1 : i32
      %add3A_59 = arith.addi %add3A_57, %add3A_58 : i32
      %select_n3A_60 = arith.constant true
      %select_n3A_61 = arith.constant 0 : i32
      %select_n3A_62 = arith.select %select_n3A_60, %add3A_59, %select_n3A_61 : i32
      "tpu.trace_stop"() : () -> ()
      %scan3A = arith.constant 0 : i32
      %scan3A_63 = arith.constant 0 : i32
      %scan3A_64 = arith.constant 0 : i32
      %scan3A_65 = arith.constant 0 : i32
      %scan3A_66 = arith.constant 0 : i32
      %scan3A_67 = arith.constant 800 : i32
      %scan3A_68 = arith.addi %scan3A_66, %scan3A_67 : i32
      %scan3A_69 = arith.constant 1 : i32
      %scan3A_70:5 = scf.for %scan3A_124 = %scan3A_66 to %scan3A_68 step %scan3A_69 iter_args(%scan3A_125 = %select_n3A_62, %scan3A_126 = %scan3A, %scan3A_127 = %scan3A_63, %scan3A_128 = %scan3A_64, %scan3A_129 = %scan3A_65) -> (i32, i32, i32, i32, i32)  : i32 {
        %eq3A_130 = arith.constant 0 : i32
        %eq3A_131 = arith.cmpi eq, %scan3A_124, %eq3A_130 : i32
        %eq3A_132 = arith.constant 799 : i32
        %eq3A_133 = arith.cmpi eq, %scan3A_124, %eq3A_132 : i32
        %add3A_134 = arith.addi %scan3A_129, %mul3A_8 : i32
        %sub3A_135 = arith.constant 1 : i32
        %sub3A_136 = arith.subi %scan3A_129, %sub3A_135 : i32
        %select_n3A_137 = arith.constant true
        %select_n3A_138 = arith.select %select_n3A_137, %sub3A_136, %scan3A_129 : i32
        %eq3A_139 = arith.constant -1 : i32
        %eq3A_140 = arith.cmpi eq, %select_n3A_138, %eq3A_139 : i32
        %select_n3A_141 = arith.constant 799 : i32
        %select_n3A_142 = arith.select %eq3A_140, %select_n3A_141, %select_n3A_138 : i32
        %add3A_143 = arith.addi %select_n3A_142, %mul3A_8 : i32
        %add3A_144 = arith.constant 1 : i32
        %add3A_145 = arith.addi %scan3A_129, %add3A_144 : i32
        %select_n3A_146 = arith.constant true
        %select_n3A_147 = arith.select %select_n3A_146, %add3A_145, %scan3A_129 : i32
        %eq3A_148 = arith.constant 800 : i32
        %eq3A_149 = arith.cmpi eq, %select_n3A_147, %eq3A_148 : i32
        %select_n3A_150 = arith.constant 0 : i32
        %select_n3A_151 = arith.select %eq3A_149, %select_n3A_150, %select_n3A_147 : i32
        %add3A_152 = arith.addi %select_n3A_151, %mul3A_8 : i32
        %add3A_153 = arith.constant 1 : i32
        %add3A_154 = arith.addi %select_n3A_151, %add3A_153 : i32
        %select_n3A_155 = arith.constant true
        %select_n3A_156 = arith.select %select_n3A_155, %add3A_154, %select_n3A_151 : i32
        %eq3A_157 = arith.constant 800 : i32
        %eq3A_158 = arith.cmpi eq, %select_n3A_156, %eq3A_157 : i32
        %select_n3A_159 = arith.constant 0 : i32
        %select_n3A_160 = arith.select %eq3A_158, %select_n3A_159, %select_n3A_156 : i32
        %add3A_161 = arith.addi %select_n3A_160, %mul3A_8 : i32
        %ne3A = arith.cmpi ne, %add3A_134, %add3A_152 : i32
        %or3A = arith.constant false
        %or3A_162 = arith.ori %or3A, %ne3A : i1
        %ge3A = arith.constant 799 : i32
        %ge3A_163 = arith.cmpi sge, %scan3A_124, %ge3A : i32
        %not3A = arith.constant true
        %not3A_164 = arith.xori %ge3A_163, %not3A : i1
        %and3A = arith.andi %or3A_162, %not3A_164 : i1
        %convert_element_type3A_165 = arith.extui %and3A : i1 to i32
        %cond3A_166 = arith.constant 0 : i32
        %cond3A_167 = arith.cmpi ne, %convert_element_type3A_165, %cond3A_166 : i32
        scf.if %cond3A_167 {
          "tpu.trace_start"() <{level = 10 : i32, message = "ep_copy_in"}> : () -> ()
          %rem3A_269 = arith.constant 2 : i32
          %rem3A_270 = arith.remui %scan3A_125, %rem3A_269 : i32
          %mul3A_271 = arith.constant 128 : i32
          %mul3A_272 = arith.muli %mul3A_271, %add3A_152 : i32
          %dma_start3A_273 = arith.constant 0 : i32
          %dma_start3A_274 = arith.constant 0 : i32
          %dma_start3A_275 = tpu.memref_slice %run_scoped3A[%rem3A_270, %dma_start3A_273, %dma_start3A_274] : memref<2x1x128xi32, #tpu.memory_space<vmem>> -> memref<1x1x128xi32, #tpu.memory_space<vmem>>
          %dma_start3A_276 = tpu.memref_squeeze %dma_start3A_275 : memref<1x1x128xi32, #tpu.memory_space<vmem>> -> memref<1x128xi32, #tpu.memory_space<vmem>>
          %dma_start3A_277 = arith.constant 0 : i32
          %dma_start3A_278 = tpu.memref_slice %arg3[%dma_start3A_277, %mul3A_272] : memref<1x3276800xi32, #tpu.memory_space<hbm>> -> memref<1x128xi32, #tpu.memory_space<hbm>>
          %dma_start3A_279 = tpu.memref_slice %run_scoped3A_9[%rem3A_270] : memref<2x!tpu.dma_semaphore, #tpu.memory_space<semaphore_mem>> -> memref<1x!tpu.dma_semaphore, #tpu.memory_space<semaphore_mem>>
          %dma_start3A_280 = tpu.memref_squeeze %dma_start3A_279 : memref<1x!tpu.dma_semaphore, #tpu.memory_space<semaphore_mem>> -> memref<!tpu.dma_semaphore, #tpu.memory_space<semaphore_mem>>
          %dma_start3A_281 = arith.constant 0 : i32
          %dma_start3A_282 = arith.constant 0 : i32
          %dma_start3A_283 = tpu.memref_slice %run_scoped3A[%rem3A_270, %dma_start3A_281, %dma_start3A_282] : memref<2x1x128xi32, #tpu.memory_space<vmem>> -> memref<1x1x128xi32, #tpu.memory_space<vmem>>
          %dma_start3A_284 = tpu.memref_squeeze %dma_start3A_283 : memref<1x1x128xi32, #tpu.memory_space<vmem>> -> memref<1x128xi32, #tpu.memory_space<vmem>>
          %dma_start3A_285 = arith.constant 0 : i32
          %dma_start3A_286 = tpu.memref_slice %arg3[%dma_start3A_285, %mul3A_272] : memref<1x3276800xi32, #tpu.memory_space<hbm>> -> memref<1x128xi32, #tpu.memory_space<hbm>>
          tpu.enqueue_dma source(%dma_start3A_286 : memref<1x128xi32, #tpu.memory_space<hbm>>) target(%dma_start3A_284 : memref<1x128xi32, #tpu.memory_space<vmem>>) target_semaphore(%dma_start3A_280 : memref<!tpu.dma_semaphore, #tpu.memory_space<semaphore_mem>>)
          "tpu.trace_stop"() : () -> ()
        } else {
        }
        %and3A_168 = arith.constant true
        %and3A_169 = arith.andi %and3A, %and3A_168 : i1
        %add3A_170 = arith.constant 1 : i32
        %add3A_171 = arith.addi %scan3A_125, %add3A_170 : i32
        %select_n3A_172 = arith.select %and3A_169, %add3A_171, %scan3A_125 : i32
        %ne3A_173 = arith.cmpi ne, %add3A_134, %add3A_152 : i32
        %or3A_174 = arith.constant false
        %or3A_175 = arith.ori %or3A_174, %ne3A_173 : i1
        %or3A_176 = arith.constant false
        %or3A_177 = arith.ori %or3A_175, %or3A_176 : i1
        %ge3A_178 = arith.constant 799 : i32
        %ge3A_179 = arith.cmpi sge, %scan3A_124, %ge3A_178 : i32
        %not3A_180 = arith.constant true
        %not3A_181 = arith.xori %ge3A_179, %not3A_180 : i1
        %and3A_182 = arith.andi %or3A_177, %not3A_181 : i1
        %ne3A_183 = arith.cmpi ne, %add3A_134, %add3A_143 : i32
        %or3A_184 = arith.constant false
        %or3A_185 = arith.ori %or3A_184, %ne3A_183 : i1
        %or3A_186 = arith.ori %or3A_185, %eq3A_131 : i1
        %convert_element_type3A_187 = arith.extui %or3A_186 : i1 to i32
        %cond3A_188 = arith.constant 0 : i32
        %cond3A_189 = arith.cmpi ne, %convert_element_type3A_187, %cond3A_188 : i32
        scf.if %cond3A_189 {
          "tpu.trace_start"() <{level = 10 : i32, message = "ep_wait_in"}> : () -> ()
          %mul3A_269 = arith.constant 128 : i32
          %mul3A_270 = arith.muli %mul3A_269, %add3A_134 : i32
          %rem3A_271 = arith.constant 2 : i32
          %rem3A_272 = arith.remui %scan3A_126, %rem3A_271 : i32
          %dma_wait3A_273 = arith.constant 0 : i32
          %dma_wait3A_274 = arith.constant 0 : i32
          %dma_wait3A_275 = tpu.memref_slice %run_scoped3A[%rem3A_272, %dma_wait3A_273, %dma_wait3A_274] : memref<2x1x128xi32, #tpu.memory_space<vmem>> -> memref<1x1x128xi32, #tpu.memory_space<vmem>>
          %dma_wait3A_276 = tpu.memref_squeeze %dma_wait3A_275 : memref<1x1x128xi32, #tpu.memory_space<vmem>> -> memref<1x128xi32, #tpu.memory_space<vmem>>
          %dma_wait3A_277 = arith.constant 0 : i32
          %dma_wait3A_278 = tpu.memref_slice %arg3[%dma_wait3A_277, %mul3A_270] : memref<1x3276800xi32, #tpu.memory_space<hbm>> -> memref<1x128xi32, #tpu.memory_space<hbm>>
          %dma_wait3A_279 = tpu.memref_slice %run_scoped3A_9[%rem3A_272] : memref<2x!tpu.dma_semaphore, #tpu.memory_space<semaphore_mem>> -> memref<1x!tpu.dma_semaphore, #tpu.memory_space<semaphore_mem>>
          %dma_wait3A_280 = tpu.memref_squeeze %dma_wait3A_279 : memref<1x!tpu.dma_semaphore, #tpu.memory_space<semaphore_mem>> -> memref<!tpu.dma_semaphore, #tpu.memory_space<semaphore_mem>>
          %dma_wait3A_281 = arith.constant 0 : i32
          %dma_wait3A_282 = arith.constant 0 : i32
          %dma_wait3A_283 = tpu.memref_slice %run_scoped3A[%rem3A_272, %dma_wait3A_281, %dma_wait3A_282] : memref<2x1x128xi32, #tpu.memory_space<vmem>> -> memref<1x1x128xi32, #tpu.memory_space<vmem>>
          %dma_wait3A_284 = tpu.memref_squeeze %dma_wait3A_283 : memref<1x1x128xi32, #tpu.memory_space<vmem>> -> memref<1x128xi32, #tpu.memory_space<vmem>>
          %dma_wait3A_285 = arith.constant 0 : i32
          %dma_wait3A_286 = tpu.memref_slice %arg3[%dma_wait3A_285, %mul3A_270] : memref<1x3276800xi32, #tpu.memory_space<hbm>> -> memref<1x128xi32, #tpu.memory_space<hbm>>
          tpu.wait_dma2 semaphore(%dma_wait3A_280 : memref<!tpu.dma_semaphore, #tpu.memory_space<semaphore_mem>>) src(%dma_wait3A_286 : memref<1x128xi32, #tpu.memory_space<hbm>>) dst(%dma_wait3A_284 : memref<1x128xi32, #tpu.memory_space<vmem>>)
          "tpu.trace_stop"() : () -> ()
        } else {
        }
        %ne3A_190 = arith.cmpi ne, %add3A_134, %add3A_143 : i32
        %or3A_191 = arith.constant false
        %or3A_192 = arith.ori %or3A_191, %ne3A_190 : i1
        %or3A_193 = arith.constant false
        %or3A_194 = arith.ori %or3A_192, %or3A_193 : i1
        %or3A_195 = arith.ori %or3A_194, %eq3A_131 : i1
        %convert_element_type3A_196 = arith.extui %or3A_195 : i1 to i32
        %cond3A_197 = arith.constant 0 : i32
        %cond3A_198 = arith.cmpi ne, %convert_element_type3A_196, %cond3A_197 : i32
        scf.if %cond3A_198 {
        } else {
        }
        %rem3A_199 = arith.constant 2 : i32
        %rem3A_200 = arith.remui %scan3A_126, %rem3A_199 : i32
        %rem3A_201 = arith.constant 2 : i32
        %rem3A_202 = arith.remui %scan3A_127, %rem3A_201 : i32
        %run_scoped3A_203 = arith.constant 0 : i32
        "tpu.trace_start"() <{level = 10 : i32, message = "ep_run_kernel"}> : () -> ()
        "tpu.region"() ({
          %run_scoped3A_269 = tpu.sem_alloc : memref<!tpu.dma_semaphore, #tpu.memory_space<semaphore_mem>>
          %dma_start3A_270 = arith.constant 0 : i32
          %dma_start3A_271 = arith.constant 0 : i32
          %dma_start3A_272 = tpu.memref_slice %run_scoped3A_10[%rem3A_202, %dma_start3A_270, %dma_start3A_271] : memref<2x128x64xf32, #tpu.memory_space<vmem>> -> memref<1x128x64xf32, #tpu.memory_space<vmem>>
          %dma_start3A_273 = tpu.memref_squeeze %dma_start3A_272 : memref<1x128x64xf32, #tpu.memory_space<vmem>> -> memref<128x64xf32, #tpu.memory_space<vmem>>
          %dma_start3A_274 = arith.constant 0 : i32
          %dma_start3A_275 = arith.constant 0 : i32
          %dma_start3A_276 = tpu.memref_slice %run_scoped3A[%rem3A_200, %dma_start3A_274, %dma_start3A_275] : memref<2x1x128xi32, #tpu.memory_space<vmem>> -> memref<1x1x128xi32, #tpu.memory_space<vmem>>
          %dma_start3A_277 = tpu.memref_squeeze %dma_start3A_276 : memref<1x1x128xi32, #tpu.memory_space<vmem>> -> memref<1x128xi32, #tpu.memory_space<vmem>>
          %dma_start3A_278 = arith.constant 0 : i32
          %dma_start3A_279 = tpu.memref_slice %dma_start3A_277[%run_scoped3A_203, %dma_start3A_278] : memref<1x128xi32, #tpu.memory_space<vmem>> -> memref<1x128xi32, #tpu.memory_space<vmem>>
          %dma_start3A_280 = tpu.memref_squeeze %dma_start3A_279 : memref<1x128xi32, #tpu.memory_space<vmem>> -> memref<128xi32, #tpu.memory_space<vmem>>
          %dma_start3A_281 = arith.constant 0 : i32
          %dma_start3A_282 = arith.constant 0 : i32
          %dma_start3A_283 = tpu.memref_slice %arg5[%dma_start3A_281, %dma_start3A_282] : memref<200x64xf32, #tpu.memory_space<vmem_shared>> -> memref<200x64xf32, #tpu.memory_space<vmem_shared>>
          tpu.enqueue_indirect_dma source(%dma_start3A_283 : memref<200x64xf32, #tpu.memory_space<vmem_shared>>) target(%dma_start3A_273 : memref<128x64xf32, #tpu.memory_space<vmem>>) offsets(%dma_start3A_280 : memref<128xi32, #tpu.memory_space<vmem>>) semaphore(%run_scoped3A_269 : memref<!tpu.dma_semaphore, #tpu.memory_space<semaphore_mem>>)
          %dma_wait3A_284 = arith.constant 0 : i32
          %dma_wait3A_285 = arith.constant 0 : i32
          %dma_wait3A_286 = tpu.memref_slice %run_scoped3A_10[%rem3A_202, %dma_wait3A_284, %dma_wait3A_285] : memref<2x128x64xf32, #tpu.memory_space<vmem>> -> memref<1x128x64xf32, #tpu.memory_space<vmem>>
          %dma_wait3A_287 = tpu.memref_squeeze %dma_wait3A_286 : memref<1x128x64xf32, #tpu.memory_space<vmem>> -> memref<128x64xf32, #tpu.memory_space<vmem>>
          %dma_wait3A_288 = arith.constant 0 : i32
          %dma_wait3A_289 = arith.constant 0 : i32
          %dma_wait3A_290 = tpu.memref_slice %run_scoped3A[%rem3A_200, %dma_wait3A_288, %dma_wait3A_289] : memref<2x1x128xi32, #tpu.memory_space<vmem>> -> memref<1x1x128xi32, #tpu.memory_space<vmem>>
          %dma_wait3A_291 = tpu.memref_squeeze %dma_wait3A_290 : memref<1x1x128xi32, #tpu.memory_space<vmem>> -> memref<1x128xi32, #tpu.memory_space<vmem>>
          %dma_wait3A_292 = arith.constant 0 : i32
          %dma_wait3A_293 = tpu.memref_slice %dma_wait3A_291[%run_scoped3A_203, %dma_wait3A_292] : memref<1x128xi32, #tpu.memory_space<vmem>> -> memref<1x128xi32, #tpu.memory_space<vmem>>
          %dma_wait3A_294 = tpu.memref_squeeze %dma_wait3A_293 : memref<1x128xi32, #tpu.memory_space<vmem>> -> memref<128xi32, #tpu.memory_space<vmem>>
          %dma_wait3A_295 = arith.constant 0 : i32
          %dma_wait3A_296 = arith.constant 0 : i32
          %dma_wait3A_297 = tpu.memref_slice %arg5[%dma_wait3A_295, %dma_wait3A_296] : memref<200x64xf32, #tpu.memory_space<vmem_shared>> -> memref<200x64xf32, #tpu.memory_space<vmem_shared>>
          tpu.wait_indirect_dma semaphore(%run_scoped3A_269 : memref<!tpu.dma_semaphore, #tpu.memory_space<semaphore_mem>>) src(%dma_wait3A_297 : memref<200x64xf32, #tpu.memory_space<vmem_shared>>) dst(%dma_wait3A_287 : memref<128x64xf32, #tpu.memory_space<vmem>>)
          tpu.yield
        }) : () -> ()
        "tpu.trace_stop"() : () -> ()
        %ne3A_204 = arith.cmpi ne, %add3A_134, %add3A_152 : i32
        %or3A_205 = arith.constant false
        %or3A_206 = arith.ori %or3A_205, %ne3A_204 : i1
        %or3A_207 = arith.ori %or3A_206, %eq3A_133 : i1
        %convert_element_type3A_208 = arith.extui %or3A_207 : i1 to i32
        %cond3A_209 = arith.constant 0 : i32
        %cond3A_210 = arith.cmpi ne, %convert_element_type3A_208, %cond3A_209 : i32
        scf.if %cond3A_210 {
        } else {
        }
        %and3A_211 = arith.constant false
        %and3A_212 = arith.andi %or3A_207, %and3A_211 : i1
        %ne3A_213 = arith.cmpi ne, %add3A_134, %add3A_152 : i32
        %or3A_214 = arith.constant false
        %or3A_215 = arith.ori %or3A_214, %ne3A_213 : i1
        %or3A_216 = arith.constant false
        %or3A_217 = arith.ori %or3A_215, %or3A_216 : i1
        %or3A_218 = arith.ori %or3A_217, %eq3A_133 : i1
        %convert_element_type3A_219 = arith.extui %or3A_218 : i1 to i32
        %cond3A_220 = arith.constant 0 : i32
        %cond3A_221 = arith.cmpi ne, %convert_element_type3A_219, %cond3A_220 : i32
        scf.if %cond3A_221 {
          "tpu.trace_start"() <{level = 10 : i32, message = "ep_copy_out"}> : () -> ()
          %rem3A_269 = arith.constant 2 : i32
          %rem3A_270 = arith.remui %scan3A_127, %rem3A_269 : i32
          %mul3A_271 = arith.constant 128 : i32
          %mul3A_272 = arith.muli %mul3A_271, %add3A_134 : i32
          %dma_start3A_273 = arith.constant 0 : i32
          %dma_start3A_274 = arith.constant 0 : i32
          %dma_start3A_275 = tpu.memref_slice %run_scoped3A_10[%rem3A_270, %dma_start3A_273, %dma_start3A_274] : memref<2x128x64xf32, #tpu.memory_space<vmem>> -> memref<1x128x64xf32, #tpu.memory_space<vmem>>
          %dma_start3A_276 = tpu.memref_squeeze %dma_start3A_275 : memref<1x128x64xf32, #tpu.memory_space<vmem>> -> memref<128x64xf32, #tpu.memory_space<vmem>>
          %dma_start3A_277 = arith.constant 0 : i32
          %dma_start3A_278 = tpu.memref_slice %arg4[%mul3A_272, %dma_start3A_277] : memref<3276800x64xf32, #tpu.memory_space<hbm>> -> memref<128x64xf32, #tpu.memory_space<hbm>>
          %dma_start3A_279 = tpu.memref_slice %run_scoped3A_11[%rem3A_270] : memref<2x!tpu.dma_semaphore, #tpu.memory_space<semaphore_mem>> -> memref<1x!tpu.dma_semaphore, #tpu.memory_space<semaphore_mem>>
          %dma_start3A_280 = tpu.memref_squeeze %dma_start3A_279 : memref<1x!tpu.dma_semaphore, #tpu.memory_space<semaphore_mem>> -> memref<!tpu.dma_semaphore, #tpu.memory_space<semaphore_mem>>
          %dma_start3A_281 = arith.constant 0 : i32
          %dma_start3A_282 = tpu.memref_slice %arg4[%mul3A_272, %dma_start3A_281] : memref<3276800x64xf32, #tpu.memory_space<hbm>> -> memref<128x64xf32, #tpu.memory_space<hbm>>
          %dma_start3A_283 = arith.constant 0 : i32
          %dma_start3A_284 = arith.constant 0 : i32
          %dma_start3A_285 = tpu.memref_slice %run_scoped3A_10[%rem3A_270, %dma_start3A_283, %dma_start3A_284] : memref<2x128x64xf32, #tpu.memory_space<vmem>> -> memref<1x128x64xf32, #tpu.memory_space<vmem>>
          %dma_start3A_286 = tpu.memref_squeeze %dma_start3A_285 : memref<1x128x64xf32, #tpu.memory_space<vmem>> -> memref<128x64xf32, #tpu.memory_space<vmem>>
          tpu.enqueue_dma source(%dma_start3A_286 : memref<128x64xf32, #tpu.memory_space<vmem>>) target(%dma_start3A_282 : memref<128x64xf32, #tpu.memory_space<hbm>>) target_semaphore(%dma_start3A_280 : memref<!tpu.dma_semaphore, #tpu.memory_space<semaphore_mem>>)
          "tpu.trace_stop"() : () -> ()
        } else {
        }
        %and3A_222 = arith.constant true
        %and3A_223 = arith.andi %or3A_218, %and3A_222 : i1
        %add3A_224 = arith.constant 1 : i32
        %add3A_225 = arith.addi %scan3A_127, %add3A_224 : i32
        %select_n3A_226 = arith.select %and3A_223, %add3A_225, %scan3A_127 : i32
        %ne3A_227 = arith.cmpi ne, %add3A_134, %add3A_143 : i32
        %or3A_228 = arith.constant false
        %or3A_229 = arith.ori %or3A_228, %ne3A_227 : i1
        %not3A_230 = arith.constant true
        %not3A_231 = arith.xori %eq3A_131, %not3A_230 : i1
        %and3A_232 = arith.andi %or3A_229, %not3A_231 : i1
        %convert_element_type3A_233 = arith.extui %and3A_232 : i1 to i32
        %cond3A_234 = arith.constant 0 : i32
        %cond3A_235 = arith.cmpi ne, %convert_element_type3A_233, %cond3A_234 : i32
        scf.if %cond3A_235 {
        } else {
        }
        %and3A_236 = arith.constant false
        %and3A_237 = arith.andi %and3A_232, %and3A_236 : i1
        %ne3A_238 = arith.cmpi ne, %add3A_134, %add3A_143 : i32
        %or3A_239 = arith.constant false
        %or3A_240 = arith.ori %or3A_239, %ne3A_238 : i1
        %or3A_241 = arith.constant false
        %or3A_242 = arith.ori %or3A_240, %or3A_241 : i1
        %not3A_243 = arith.constant true
        %not3A_244 = arith.xori %eq3A_131, %not3A_243 : i1
        %and3A_245 = arith.andi %or3A_242, %not3A_244 : i1
        %convert_element_type3A_246 = arith.extui %and3A_245 : i1 to i32
        %cond3A_247 = arith.constant 0 : i32
        %cond3A_248 = arith.cmpi ne, %convert_element_type3A_246, %cond3A_247 : i32
        scf.if %cond3A_248 {
          "tpu.trace_start"() <{level = 10 : i32, message = "ep_wait_out"}> : () -> ()
          %rem3A_269 = arith.constant 2 : i32
          %rem3A_270 = arith.remui %scan3A_128, %rem3A_269 : i32
          %mul3A_271 = arith.constant 128 : i32
          %mul3A_272 = arith.muli %mul3A_271, %add3A_143 : i32
          %dma_wait3A_273 = arith.constant 0 : i32
          %dma_wait3A_274 = arith.constant 0 : i32
          %dma_wait3A_275 = tpu.memref_slice %run_scoped3A_10[%rem3A_270, %dma_wait3A_273, %dma_wait3A_274] : memref<2x128x64xf32, #tpu.memory_space<vmem>> -> memref<1x128x64xf32, #tpu.memory_space<vmem>>
          %dma_wait3A_276 = tpu.memref_squeeze %dma_wait3A_275 : memref<1x128x64xf32, #tpu.memory_space<vmem>> -> memref<128x64xf32, #tpu.memory_space<vmem>>
          %dma_wait3A_277 = arith.constant 0 : i32
          %dma_wait3A_278 = tpu.memref_slice %arg4[%mul3A_272, %dma_wait3A_277] : memref<3276800x64xf32, #tpu.memory_space<hbm>> -> memref<128x64xf32, #tpu.memory_space<hbm>>
          %dma_wait3A_279 = tpu.memref_slice %run_scoped3A_11[%rem3A_270] : memref<2x!tpu.dma_semaphore, #tpu.memory_space<semaphore_mem>> -> memref<1x!tpu.dma_semaphore, #tpu.memory_space<semaphore_mem>>
          %dma_wait3A_280 = tpu.memref_squeeze %dma_wait3A_279 : memref<1x!tpu.dma_semaphore, #tpu.memory_space<semaphore_mem>> -> memref<!tpu.dma_semaphore, #tpu.memory_space<semaphore_mem>>
          %dma_wait3A_281 = arith.constant 0 : i32
          %dma_wait3A_282 = tpu.memref_slice %arg4[%mul3A_272, %dma_wait3A_281] : memref<3276800x64xf32, #tpu.memory_space<hbm>> -> memref<128x64xf32, #tpu.memory_space<hbm>>
          %dma_wait3A_283 = arith.constant 0 : i32
          %dma_wait3A_284 = arith.constant 0 : i32
          %dma_wait3A_285 = tpu.memref_slice %run_scoped3A_10[%rem3A_270, %dma_wait3A_283, %dma_wait3A_284] : memref<2x128x64xf32, #tpu.memory_space<vmem>> -> memref<1x128x64xf32, #tpu.memory_space<vmem>>
          %dma_wait3A_286 = tpu.memref_squeeze %dma_wait3A_285 : memref<1x128x64xf32, #tpu.memory_space<vmem>> -> memref<128x64xf32, #tpu.memory_space<vmem>>
          tpu.wait_dma2 semaphore(%dma_wait3A_280 : memref<!tpu.dma_semaphore, #tpu.memory_space<semaphore_mem>>) src(%dma_wait3A_286 : memref<128x64xf32, #tpu.memory_space<vmem>>) dst(%dma_wait3A_282 : memref<128x64xf32, #tpu.memory_space<hbm>>)
          "tpu.trace_stop"() : () -> ()
        } else {
        }
        %and3A_249 = arith.constant true
        %and3A_250 = arith.andi %and3A_245, %and3A_249 : i1
        %add3A_251 = arith.constant 1 : i32
        %add3A_252 = arith.addi %scan3A_128, %add3A_251 : i32
        %select_n3A_253 = arith.select %and3A_250, %add3A_252, %scan3A_128 : i32
        %ne3A_254 = arith.cmpi ne, %add3A_134, %add3A_152 : i32
        %or3A_255 = arith.constant false
        %or3A_256 = arith.ori %or3A_255, %ne3A_254 : i1
        %or3A_257 = arith.ori %or3A_256, %eq3A_133 : i1
        %add3A_258 = arith.constant 1 : i32
        %add3A_259 = arith.addi %scan3A_126, %add3A_258 : i32
        %select_n3A_260 = arith.select %or3A_257, %add3A_259, %scan3A_126 : i32
        %add3A_261 = arith.constant 1 : i32
        %add3A_262 = arith.addi %scan3A_129, %add3A_261 : i32
        %select_n3A_263 = arith.constant true
        %select_n3A_264 = arith.select %select_n3A_263, %add3A_262, %scan3A_129 : i32
        %eq3A_265 = arith.constant 800 : i32
        %eq3A_266 = arith.cmpi eq, %select_n3A_264, %eq3A_265 : i32
        %select_n3A_267 = arith.constant 0 : i32
        %select_n3A_268 = arith.select %eq3A_266, %select_n3A_267, %select_n3A_264 : i32
        scf.yield %select_n3A_172, %select_n3A_260, %select_n3A_226, %select_n3A_253, %select_n3A_268 : i32, i32, i32, i32, i32
      }
      %scan3A_71 = arith.constant 800 : i32
      %sub3A = arith.constant 1 : i32
      %sub3A_72 = arith.subi %scan3A_70#4, %sub3A : i32
      %select_n3A_73 = arith.constant true
      %select_n3A_74 = arith.select %select_n3A_73, %sub3A_72, %scan3A_70#4 : i32
      %eq3A_75 = arith.constant -1 : i32
      %eq3A_76 = arith.cmpi eq, %select_n3A_74, %eq3A_75 : i32
      %select_n3A_77 = arith.constant 799 : i32
      %select_n3A_78 = arith.select %eq3A_76, %select_n3A_77, %select_n3A_74 : i32
      %add3A_79 = arith.addi %select_n3A_78, %mul3A_8 : i32
      %sub3A_80 = arith.constant 1 : i32
      %sub3A_81 = arith.subi %select_n3A_78, %sub3A_80 : i32
      %select_n3A_82 = arith.constant true
      %select_n3A_83 = arith.select %select_n3A_82, %sub3A_81, %select_n3A_78 : i32
      %eq3A_84 = arith.constant -1 : i32
      %eq3A_85 = arith.cmpi eq, %select_n3A_83, %eq3A_84 : i32
      %select_n3A_86 = arith.constant 799 : i32
      %select_n3A_87 = arith.select %eq3A_85, %select_n3A_86, %select_n3A_83 : i32
      %add3A_88 = arith.addi %select_n3A_87, %mul3A_8 : i32
      %add3A_89 = arith.constant 1 : i32
      %add3A_90 = arith.addi %select_n3A_78, %add3A_89 : i32
      %select_n3A_91 = arith.constant true
      %select_n3A_92 = arith.select %select_n3A_91, %add3A_90, %select_n3A_78 : i32
      %eq3A_93 = arith.constant 800 : i32
      %eq3A_94 = arith.cmpi eq, %select_n3A_92, %eq3A_93 : i32
      %select_n3A_95 = arith.constant 0 : i32
      %select_n3A_96 = arith.select %eq3A_94, %select_n3A_95, %select_n3A_92 : i32
      %add3A_97 = arith.addi %select_n3A_96, %mul3A_8 : i32
      %add3A_98 = arith.constant 1 : i32
      %add3A_99 = arith.addi %select_n3A_96, %add3A_98 : i32
      %select_n3A_100 = arith.constant true
      %select_n3A_101 = arith.select %select_n3A_100, %add3A_99, %select_n3A_96 : i32
      %eq3A_102 = arith.constant 800 : i32
      %eq3A_103 = arith.cmpi eq, %select_n3A_101, %eq3A_102 : i32
      %select_n3A_104 = arith.constant 0 : i32
      %select_n3A_105 = arith.select %eq3A_103, %select_n3A_104, %select_n3A_101 : i32
      %add3A_106 = arith.addi %select_n3A_105, %mul3A_8 : i32
      "tpu.trace_start"() <{level = 10 : i32, message = "ep_finalize"}> : () -> ()
      %rem3A_107 = arith.constant 2 : i32
      %rem3A_108 = arith.remui %scan3A_70#3, %rem3A_107 : i32
      %mul3A_109 = arith.constant 128 : i32
      %mul3A_110 = arith.muli %mul3A_109, %add3A_79 : i32
      %dma_wait3A = arith.constant 0 : i32
      %dma_wait3A_111 = arith.constant 0 : i32
      %dma_wait3A_112 = tpu.memref_slice %run_scoped3A_10[%rem3A_108, %dma_wait3A, %dma_wait3A_111] : memref<2x128x64xf32, #tpu.memory_space<vmem>> -> memref<1x128x64xf32, #tpu.memory_space<vmem>>
      %dma_wait3A_113 = tpu.memref_squeeze %dma_wait3A_112 : memref<1x128x64xf32, #tpu.memory_space<vmem>> -> memref<128x64xf32, #tpu.memory_space<vmem>>
      %dma_wait3A_114 = arith.constant 0 : i32
      %dma_wait3A_115 = tpu.memref_slice %arg4[%mul3A_110, %dma_wait3A_114] : memref<3276800x64xf32, #tpu.memory_space<hbm>> -> memref<128x64xf32, #tpu.memory_space<hbm>>
      %dma_wait3A_116 = tpu.memref_slice %run_scoped3A_11[%rem3A_108] : memref<2x!tpu.dma_semaphore, #tpu.memory_space<semaphore_mem>> -> memref<1x!tpu.dma_semaphore, #tpu.memory_space<semaphore_mem>>
      %dma_wait3A_117 = tpu.memref_squeeze %dma_wait3A_116 : memref<1x!tpu.dma_semaphore, #tpu.memory_space<semaphore_mem>> -> memref<!tpu.dma_semaphore, #tpu.memory_space<semaphore_mem>>
      %dma_wait3A_118 = arith.constant 0 : i32
      %dma_wait3A_119 = tpu.memref_slice %arg4[%mul3A_110, %dma_wait3A_118] : memref<3276800x64xf32, #tpu.memory_space<hbm>> -> memref<128x64xf32, #tpu.memory_space<hbm>>
      %dma_wait3A_120 = arith.constant 0 : i32
      %dma_wait3A_121 = arith.constant 0 : i32
      %dma_wait3A_122 = tpu.memref_slice %run_scoped3A_10[%rem3A_108, %dma_wait3A_120, %dma_wait3A_121] : memref<2x128x64xf32, #tpu.memory_space<vmem>> -> memref<1x128x64xf32, #tpu.memory_space<vmem>>
      %dma_wait3A_123 = tpu.memref_squeeze %dma_wait3A_122 : memref<1x128x64xf32, #tpu.memory_space<vmem>> -> memref<128x64xf32, #tpu.memory_space<vmem>>
      tpu.wait_dma2 semaphore(%dma_wait3A_117 : memref<!tpu.dma_semaphore, #tpu.memory_space<semaphore_mem>>) src(%dma_wait3A_123 : memref<128x64xf32, #tpu.memory_space<vmem>>) dst(%dma_wait3A_119 : memref<128x64xf32, #tpu.memory_space<hbm>>)
      "tpu.trace_stop"() : () -> ()
      tpu.yield
    }) : () -> ()
    return
  }
}

</mosaic_0001>

<sc_bundles>
// kernel: kernel.3.cloned.1.call-start
scs
__scs_entry_jumppad:
0x0: {  	(pc) =	sbr.rel $0x88, $3  }
0x1: {  	(tag) =	ssettag $0x0;
	lr =	simm.s32 $0x1  }
0x2: {  	[smem:$0x3F9F] =	sst lr;
	_ =	strace $0xD0000000  }
0x3: {  	_ = 	snop  }
0x4: {  	_ = 	snop  }
0x5: {  	_ = 	snop  }
0x6: {  	_ = 	snop  }
0x7: {  	_ = 	snop  }
__scs_overlays_trampoline_lowered:
0x8: {  	[smem:$0x3FAE] =	sst s0  }
0x9: {  	[smem:$0x3FAF] =	sst s1  }
0xa: {  	[smem:$0x3FB0] =	sst s2  }
0xb: {  	[smem:$0x3FB1] =	sst s3  }
0xc: {  	[smem:$0x3FB2] =	sst s4  }
0xd: {  	[smem:$0x3FB3] =	sst s5  }
0xe: {  	[smem:$0x3FB4] =	sst s6  }
0xf: {  	[smem:$0x3FB5] =	sst s7  }
0x10: {  	[smem:$0x3FB6] =	sst s8  }
0x11: {  	[smem:$0x3FB7] =	sst s9;
	s0 =	simm.s32 @!p0 $0x0  }
0x12: {  	s1 =	sld [smem:$0x3F9D];
	s0 =	simm.s32 @p0 $0x1  }
0x13: {  	[smem:$0x3FB8] =	sst s0;
	s0 =	simm.s32 @!p1 $0x0  }
0x14: {  	s2 =	sld [smem:$0x3F9C];
	s0 =	simm.s32 @p1 $0x1  }
0x15: {  	[smem:$0x3FB9] =	sst s0;
	s0 =	simm.s32 @!p2 $0x0  }
0x16: {  	s3 =	sld [smem:$0x3FDB];
	s0 =	simm.s32 @p2 $0x1  }
0x17: {  	s4 =	simm.s32 $0x1BF5;
	[smem:$0x3FBB] =	sst s0  }
0x18: {  	s0 =	sld [smem:$0x3F9E];
	_ =	swait.ge [sflag:s4], $0x0  }
0x19: {  	s7 =	sld [smem:$0x3F9F]  }
0x1a: {  	s8 =	sadd.s32 $0xFFFFE003, lr  }
0x1b: {  	s9 =	sadd.s32 $0xFFFFFEF7, lr;
	s5 =	simm.s32 $0xFFFFFFFF;
	p2 =	slt.u32 s8, $0xFFFFF086  }
0x1c: {  	p1 =	slt.u32 s9, $0xF7A;
	s5 =	simm.s32 @!p2 $0x0  }
0x1d: {  	s5 =	simm.s32 @p1 $0x1;
	p0 =	seq.s32 s7, s2  }
0x1e: {  	s7 =	smul.u32 @!p0 $0xF7A, s2;
	p2 =	seq.s32 @!p0 s5, $0x0  }
0x1f: {  	s9 =	smul.u32 $0xF7A, s1;
	s8 =	simm.s32 @!p0 $0x1BF5;
	p2 =	por !p2, p0  }
0x20: {  	[sflag:s8] =	ssyncset.s32 @!p0 $0xFFFFF086;
	s6 =	sadd.s32 @!p0 s3, s7;
	s7 =	simm.s32 @!p0 $0x108  }
0x21: {  	s3 =	sadd.s32 s3, s9;
	s6 =	sadd.s32 @!p0 $0x88, s6;
	s7 =	simm.s32 @p2 $0x1082  }
0x22: {  	[simem:s7], [sflag:s8] =	dma.local @!p0 [hbm:s6], $0xF7A  }
0x23: {  	s9 =	sor.u32 $0xD0000000, s2;
	s6 =	simm.s32 $0x108;
	_ =	swait.ge @!p0 [sflag:s8], $0x0  }
0x24: {  	s3 =	sadd.s32 $0x88, s3;
	s6 =	simm.s32 @!p1 $0x1082;
	[sflag:s4] =	ssyncset.s32 $0xFFFFF086  }
0x25: {  	[simem:s6], [sflag:s4] =	dma.local [hbm:s3], $0xF7A  }
0x26: {  	[smem:$0x3F9F] =	sst s1;
	(tag) =	ssettag s2;
	_ =	strace s9  }
0x27: {  	s1 =	sld [smem:$0x3FAF]  }
0x28: {  	s2 =	sld [smem:$0x3FB0]  }
0x29: {  	s4 =	sld [smem:$0x3FB2]  }
0x2a: {  	p0 =	seq.s32 s5, $0x0;
	s5 =	sld [smem:$0x3FB3]  }
0x2b: {  	s6 =	sld [smem:$0x3FB4]  }
0x2c: {  	s7 =	sld [smem:$0x3FB5]  }
0x2d: {  	s3 =	simm.s32 $0x108;
	s8 =	sld [smem:$0x3FB6]  }
0x2e: {  	s3 =	simm.s32 @!p0 $0x1082;
	s9 =	sld [smem:$0x3FB7]  }
0x2f: {  	lr =	sadd.s32 s0, s3;
	s0 =	sld [smem:$0x3FAE]  }
0x30: {  	s3 =	sld [smem:$0x3FB1]  }
0x31: {  	[smem:$0x3FBA] =	sst s10  }
0x32: {  	s10 =	sld [smem:$0x3FB8];
	_ =	sdelay $0x3  }
0x33: {  	p0 =	seq.s32 s10, $0x1;
	s10 =	sld [smem:$0x3FBA];
	_ =	sdelay $0x3  }
0x34: {  	[smem:$0x3FBA] =	sst s10  }
0x35: {  	s10 =	sld [smem:$0x3FB9];
	_ =	sdelay $0x3  }
0x36: {  	p1 =	seq.s32 s10, $0x1;
	s10 =	sld [smem:$0x3FBA];
	_ =	sdelay $0x3  }
0x37: {  	[smem:$0x3FBA] =	sst s10  }
0x38: {  	s10 =	sld [smem:$0x3FBB]  }
0x39: {  	_ = 	snop;
	(pc) =	sbr.ind lr, $3  }
0x3a: {  	_ = 	snop  }
0x3b: {  	_ = 	snop  }
0x3c: {  	p2 =	seq.s32 s10, $0x1;
	s10 =	sld [smem:$0x3FBA]  }
0x3d: {  	_ =	shalt  }
0x3e: {  	_ =	shalt  }
0x3f: {  	_ =	shalt  }
0x40: {  	_ =	shalt  }
0x41: {  	_ =	shalt  }
0x42: {  	_ =	shalt  }
0x43: {  	_ =	shalt  }
0x44: {  	_ =	shalt  }
0x45: {  	_ =	shalt  }
0x46: {  	_ =	shalt  }
0x47: {  	_ =	shalt  }
0x48: {  	_ =	shalt  }
0x49: {  	_ =	shalt  }
0x4a: {  	_ =	shalt  }
0x4b: {  	_ =	shalt  }
0x4c: {  	_ =	shalt  }
0x4d: {  	_ =	shalt  }
0x4e: {  	_ =	shalt  }
0x4f: {  	_ =	shalt  }
0x50: {  	_ =	shalt  }
0x51: {  	_ =	shalt  }
0x52: {  	_ =	shalt  }
0x53: {  	_ =	shalt  }
0x54: {  	_ =	shalt  }
0x55: {  	_ =	shalt  }
0x56: {  	_ =	shalt  }
0x57: {  	_ =	shalt  }
0x58: {  	_ =	shalt  }
0x59: {  	_ =	shalt  }
0x5a: {  	_ =	shalt  }
0x5b: {  	_ =	shalt  }
0x5c: {  	_ =	shalt  }
0x5d: {  	_ =	shalt  }
0x5e: {  	_ =	shalt  }
0x5f: {  	_ =	shalt  }
0x60: {  	_ =	shalt  }
0x61: {  	_ =	shalt  }
0x62: {  	_ =	shalt  }
0x63: {  	_ =	shalt  }
0x64: {  	_ =	shalt  }
0x65: {  	_ =	shalt  }
0x66: {  	_ =	shalt  }
0x67: {  	_ =	shalt  }
0x68: {  	_ =	shalt  }
0x69: {  	_ =	shalt  }
0x6a: {  	_ =	shalt  }
0x6b: {  	_ =	shalt  }
0x6c: {  	_ =	shalt  }
0x6d: {  	_ =	shalt  }
0x6e: {  	_ =	shalt  }
0x6f: {  	_ =	shalt  }
0x70: {  	_ =	shalt  }
0x71: {  	_ =	shalt  }
0x72: {  	_ =	shalt  }
0x73: {  	_ =	shalt  }
0x74: {  	_ =	shalt  }
0x75: {  	_ =	shalt  }
0x76: {  	_ =	shalt  }
0x77: {  	_ =	shalt  }
0x78: {  	_ =	shalt  }
0x79: {  	_ =	shalt  }
0x7a: {  	_ =	shalt  }
0x7b: {  	_ =	shalt  }
0x7c: {  	_ =	shalt  }
0x7d: {  	_ =	shalt  }
0x7e: {  	_ =	shalt  }
0x7f: {  	_ =	shalt  }
0x80: {  	_ =	shalt  }
0x81: {  	_ =	shalt  }
0x82: {  	_ =	shalt  }
0x83: {  	_ =	shalt  }
0x84: {  	_ =	shalt  }
0x85: {  	_ =	shalt  }
0x86: {  	_ =	shalt  }
0x87: {  	_ =	shalt  }
.Lfunc_end0:
.L_simem_size_0:
called_computation.1_lowered:
.L_overlay_start_0:
0x88: {  	s2 =	sld [smem:$0x3FD9]  }
0x89: {  	s3 =	sld [smem:$0x3FFE];
	_ =	sdelay $0x1  }
0x8a: {  	s1 =	srdreg.scid  }
0x8b: {  	s0 =	sand.u32 $0x1, s1  }
0x8c: {  	s17 =	sshll.u32 s0, $0xA;
	s2 =	sadd.s32 s3, s2  }
0x8d: {  	s2 =	sadd.s32 s2, s17  }
0x8e: {  	[smem:$0x3FC6] =	sst s2  }
0x8f: {  	_ = 	snop  }
0x90: {  	s2 =	sld [smem:$0x3FD0];
	(tm) =	ssettm $0x1  }
0x91: {  	s18 =	sld [smem:$0x3FFB];
	_ =	sdelay $0x3  }
0x92: {  	_ =	strace s18  }
0x93: {  	s3 =	sld [smem:$0x3FFC];
	_ =	sdelay $0x3  }
0x94: {  	_ =	strace s3  }
0x95: {  	s3 =	sld [smem:$0x3FFD];
	_ =	sdelay $0x3  }
0x96: {  	_ =	strace s3  }
0x97: {  	_ =	strace $0x8FFFFFFF  }
0x98: {  	s19 =	sld [smem:$0x3FDB];
	_ =	sdelay $0x1  }
0x99: {  	s4 =	simm.s32 $_scs_section_size  }
0x9a: {  	s5 =	simm.s32 $_size__tile_overlayer_lowered;
	s6 =	simm.s32 $_tile_overlayer_lowered  }
0x9b: {  	s22 =	simm.s32 $0x1BFF;
	s21 =	sshll.u32 s6, $0x1;
	s3 =	sadd.s32 s4, s19  }
0x9c: {  	s7 =	simm.s32 $0x0;
	s20 =	sshll.u32 s5, $0x1;
	s5 =	sadd.s32 s21, s3  }
0x9d: {  	[timem:s7], [sflag:s22] =	dma.local [hbm:s5], s20  }
0x9e: {  	_ =	swait.ge [sflag:s22], s20  }
0x9f: {  	s4 =	ssub.s32 $0x0, s20;
	[sflag:s22] =	ssyncset.done $0x0  }
0xa0: {  	[sflag:s22] =	ssyncadd.s32 s4;
	_ =	sdelay $0x1  }
0xa1: {  	s23 =	simm.s32 $0x1B8B  }
0xa2: {  	_ =	swait.ge [sflag:s23], $0x1  }
0xa3: {  	[sflag:s23] =	ssyncset.done $0x0  }
0xa4: {  	s25 =	simm.s32 $0x1B8E;
	s24 =	sld [smem:$0x3FFE];
	[sflag:s23] =	ssyncadd.s32 $0xFFFFFFFF  }
0xa5: {  	s26 =	simm.s32 $execute0_lowered;
	[smem:$0x3FD2] =	sst s25  }
0xa6: {  	s5 =	sshll.u32 s26, $0x1;
	_ =	strace $0x80000046;
	[dreg:$0x1] =	wrdreg $0xFFFFFFFF  }
0xa7: {  	s28 =	simm.s32 $_size_execute0_lowered;
	s3 =	sadd.s32 s3, s5;
	[dreg:$0x0] =	wrdreg $0x0  }
0xa8: {  	s5 =	sshll.u32 s28, $0x1;
	[dreg:$0x2] =	wrdreg s3  }
0xa9: {  	[dreg:$0x3] =	wrdreg s5  }
0xaa: {  	[dreg:$0x4] =	wrdreg $0xC0  }
0xab: {  	_ =	task [dreg:s7], $0x5FFFF  }
0xac: {  	[dreg:$0x1] =	wrdreg $0xFFFFFFFF  }
0xad: {  	[dreg:$0x0] =	wrdreg $0x60  }
0xae: {  	[dreg:$0x2] =	wrdreg s24  }
0xaf: {  	[dreg:$0x3] =	wrdreg s2  }
0xb0: {  	[dreg:$0x4] =	wrdreg $0x0  }
0xb1: {  	[dreg:$0x5] =	wrdreg $0x9  }
0xb2: {  	_ =	task.clear_ibuf [dreg:s7], $0x6FFFF;
	_ =	strace $0x90000046  }
0xb3: {  	s29 =	simm.s32 $0x9;
	_ =	strace $0x8000004F  }
0xb4: {  	_ =	swait.ge [sflag:s29], $0x1  }
0xb5: {  	[sflag:s29] =	ssyncadd.s32 $0xFFFFFFFF  }
0xb6: {  	_ =	strace $0x9000004F  }
0xb7: {  	_ =	sfence  }
0xb8: {  	s30 =	sld [smem:$0x0];
	_ =	sdelay $0x2  }
0xb9: {  	s31 =	sshll.u32 s1, $0xD;
	s1 =	sshrl.u32 s1, $0x2  }
0xba: {  	s3 =	sand.u32 $0x4000, s31;
	s1 =	sadd.s32 s1, s30  }
0xbb: {  	s0 =	sor.u32 s3, s0;
	s1 =	sshll.u32 s1, $0x11  }
0xbc: {  	s0 =	sor.u32 s1, s0  }
0xbd: {  	s0 =	sadd.s32 $0x8F2B, s0  }
0xbe: {  	[sflag:s0] =	ssyncadd.remote.s32 $0x1  }
0xbf: {  	_ =	sfence.sel $0xFFFF  }
0xc0: {  	[dreg:$0x0] =	wrdreg $0xFFFFFFFF;
	(pc) =	sbr.abs _section_cstart, $3  }
0xc1: {  	[dreg:$0x1] =	wrdreg $0xFFFFFFFF  }
0xc2: {  	_ =	task.clear_ibuf [dreg:s7], $0x2FFFF;
	_ =	strace $0x9FFFFFFF  }
0xc3: {  	(tm) =	ssettm $0x7FFFFFFF  }
tec
execute0_lowered:
.L_overlay_start_1:
0x0: {  	(tag) =	ssettag $0x1  }
0x1: {  	s4 =	rddreg [dreg:$0x0]  }
0x2: {  	s0 =	rddreg [dreg:$0x1]  }
0x3: {  	s1 =	rddreg [dreg:$0x2]  }
0x4: {  	s3 =	srdreg.scid;
	s2 =	simm.s32 $0x0;
	s8 =	stileid.u32  }
0x5: {  	s10 =	simm.s32 $0x80;
	s11 =	simm.s32 $0x0;
	[dreg:$0x5] =	wrdreg s0  }
0x6: {  	s3 =	sand.u32 $0x1, s3;
	[smem:$0x7FF] =	sst s2;
	p0 =	sne.s32 s8, $0x0  }
0x7: {  	s5 =	sshll.u32 s3, $0x4;
	_ =	strace $0x80000047;
	s6 =	ssub.s32 $0x2, s3  }
0x8: {  	s3 =	sadd.s32 $0x800, s4;
	s4 =	sadd.s32 $0x1000, s4;
	s5 =	sor.u32 s8, s5  }
0x9: {  	[dreg:$0x4] =	wrdreg s10;
	s7 =	sshrl.u32 s6, $0x1;
	s9 =	smul.u32 $0x3200, s5  }
0xa: {  	s10 =	simm.s32 $0x5;
	s8 =	sshrl.u32 @!p0 s1, $0x3;
	s7 =	ssub.s32 s6, s7  }
0xb: {  	s5 =	smul.u32 $0x320, s5;
	s7 =	smax.u32 s7, $0x1;
	s6 =	sadd.s32 s4, s9  }
.LBB2_1:
0xc: {  	s12 =	simm.s32 @!p0 $0x1C01;
	s25 =	simm.s32 $0x320;
	s13 =	simm.s32 $0x1  }
0xd: {  	[spmem:s8], [sflag:s12] =	dma.local @!p0 [hbm:s3], $0x640  }
0xe: {  	p1 =	por $0x0, $0x0;
	p2 =	por $0x1, $0x1;
	s12 =	simm.s32 @!p0 $0x1  }
0xf: {  	s0 =	simm.s32 $0x1;
	s13 =	simm.s32 @p1 $0x0;
	_ =	swait.ge @!p0 [sflag:s12], $0x640  }
0x10: {  	s22 =	sand.u32 $0x1, s2;
	p1 =	sne.s32 s13, $0x0;
	[sflag:s12] =	ssyncset.done @!p0 $0x0  }
0x11: {  	s30 =	simm.s32 $0x0;
	p2 =	por !p2, !p1;
	[sflag:s12] =	ssyncadd.s32 @!p0 $0xFFFFF9C0  }
0x12: {  	p4 =	por $0x0, $0x0;
	p3 =	por !p2, !p2;
	[bflag:$0x0] =	sbarrier.arrive $0xFFFF  }
0x13: {  	s12 =	sadd.s32 @p3 s5, s13;
	s14 =	sand.u32 @p3 $0x1, s0;
	s16 =	simm.s32 @p3 $0x0  }
0x14: {  	_ =	strace $0x80000048;
	s12 =	sshll.u32 @p3 s12, $0x4;
	s15 =	sshll.u32 @p3 s14, $0x7  }
0x15: {  	[tilespmem:s25], [sflag:$0x1] =	stream.linear.gather [hbm4b:s6+s2], $0x80, $0x200038;
	[tilespmem:$0x4420] =	vst v63  }
0x16: {  	s14 =	sadd.s32 @p3 $0x1, s14;
	s12 =	sand.u32 @p3 $0x1FFFFFF0, s12;
	_ =	strace $0x90000048  }
0x17: {  	s15 =	sor.u32 @p3 $0x320, s15;
	s12 =	sadd.s32 @p3 s4, s12;
	_ =	strace @p3 $0x80000049  }
0x18: {  	[tilespmem:s15], [sflag:s14] =	stream.linear.gather @p3 [hbm4b:s12+s16], $0x80, $0x200038;
	[tilespmem:$0x4420] =	vst v63  }
0x19: {  	p6 =	por $0x0, $0x0;
	s24 =	simm.s32 $0x1;
	_ =	strace @p3 $0x90000049  }
0x1a: {  	s26 =	sadd.s32 $0x1, s22;
	s31 =	sand.u32 $0x80, s30;
	_ =	strace $0x8000004A  }
0x1b: {  	s17 =	sadd.s32 $0x0, s5;
	s19 =	sshll.u32 s22, $0xD;
	_ =	swait.ge [sflag:s26], $0x80  }
0x1c: {  	s23 =	sor.u32 $0x420, s19;
	s19 =	simm.s32 $0x0;
	[sflag:s26] =	ssyncset.done $0x0  }
0x1d: {  	p2 =	por $0x1, $0x1;
	s12 =	simm.s32 $0x31F;
	[sflag:s26] =	ssyncadd.s32 $0xFFFFFF80  }
0x1e: {  	s15 =	simm.s32 $0x31E;
	s16 =	sand.u32 @!p2 $0x1, s2;
	_ =	strace $0x9000004A  }
0x1f: {  	p2 =	por p2, p2;
	s14 =	sor.u32 $0x320, s31;
	_ =	strace $0x8000004B  }
0x20: {  	s20 =	sadd.s32 @!p2 $0x3, s16;
	s16 =	simm.s32 $0x1;
	s18 =	rddreg [dreg:$0x4]  }
0x21: {  	[tilespmem:s23], [sflag:$0x5] =	stream.indirect.gather [spmem:s1], $0x40, s14, s18, $0x2000b8;
	[tilespmem:$0x4420] =	vst v63  }
0x22: {  	s16 =	simm.s32 @!p4 $0x0;
	s18 =	sadd.s32 $0x1, s13;
	s14 =	simm.s32 $0x1  }
0x23: {  	_ =	swait.ge [sflag:s10], $0x2000;
	p5 =	seq.s32 s18, $0x320;
	s14 =	simm.s32 @!p3 $0x0  }
0x24: {  	[sflag:s10] =	ssyncset.done $0x0;
	s18 =	simm.s32 @p5 $0x0;
	p5 =	por p6, p1  }
0x25: {  	p6 =	por $0x1, $0x1;
	s21 =	sadd.s32 $0x1, s14;
	s14 =	simm.s32 $0x0  }
0x26: {  	[sflag:s10] =	ssyncadd.s32 $0xFFFFE000;
	p1 =	sne.s32 s13, s18;
	s25 =	sshll.u32 @p5 s17, $0xA  }
0x27: {  	s24 =	simm.s32 @!p5 $0x0;
	p3 =	por !p6, !p1;
	_ =	strace $0x9000004B  }
0x28: {  	s17 =	simm.s32 $0x0;
	p3 =	por !p3, !p3;
	_ =	strace @p5 $0x8000004C  }
0x29: {  	s26 =	sand.u32 @p3 $0x1, s21;
	s29 =	sadd.s32 @p3 s5, s18;
	s28 =	rddreg [dreg:$0x5]  }
.LBB2_2:
0x2a: {  	s29 =	sshll.u32 @p3 s29, $0x4;
	s30 =	sand.u32 @p5 $0x1FFFFC00, s25;
	s31 =	simm.s32 @p5 $0x0  }
0x2b: {  	s25 =	smov.u32 s12;
	s12 =	smov.u32 s15;
	s0 =	smov.u32 s13  }
0x2c: {  	s13 =	sshll.u32 @p3 s26, $0x7;
	s22 =	sadd.s32 @p5 $0x3, s22;
	s17 =	sadd.s32 s24, s17  }
0x2d: {  	s19 =	sadd.s32 s24, s19;
	s9 =	sor.u32 @p3 $0x320, s13;
	s13 =	sadd.s32 @p5 s28, s30  }
0x2e: {  	[hbm4b:s13+s31] =	stream.linear.scatter @p5 [tilespmem:s23], [sflag:s22], $0x2000, $0x200038;
	[tilespmem:$0x4420] =	vst v63  }
0x2f: {  	s15 =	sadd.s32 $0xFFFFFFFF, s15;
	s14 =	sadd.s32 s16, s14;
	_ =	strace @p5 $0x9000004C  }
0x30: {  	s29 =	sand.u32 @p3 $0x1FFFFFF0, s29;
	s24 =	sshll.u32 s19, $0x7;
	_ =	strace @!p2 $0x8000004D  }
0x31: {  	p4 =	sne.s32 s15, $0x0;
	s0 =	sadd.s32 s5, s0;
	_ =	swait.ge @!p2 [sflag:s20], $0x2000  }
0x32: {  	s29 =	sadd.s32 @p3 s4, s29;
	s31 =	sand.u32 $0x1, s19;
	[sflag:s20] =	ssyncset.done @!p2 $0x0  }
0x33: {  	s24 =	sand.u32 $0x80, s24;
	s23 =	simm.s32 @p3 $0x0;
	[sflag:s20] =	ssyncadd.s32 @!p2 $0xFFFFE000  }
0x34: {  	s13 =	smov.u32 s18;
	s22 =	sand.u32 $0x1, s17;
	_ =	strace @!p2 $0x9000004D  }
0x35: {  	s18 =	sadd.s32 $0x1, s18;
	s20 =	sadd.s32 @p3 $0x1, s26;
	_ =	strace @p3 $0x80000049  }
0x36: {  	[tilespmem:s9], [sflag:s20] =	stream.linear.gather @p3 [hbm4b:s29+s23], $0x80, $0x200038;
	[tilespmem:$0x4420] =	vst v63  }
0x37: {  	p5 =	seq.s32 s25, $0x320;
	s24 =	sor.u32 $0x320, s24;
	_ =	strace @p3 $0x90000049  }
0x38: {  	p6 =	seq.s32 s18, $0x320;
	s26 =	sadd.s32 $0x1, s31;
	_ =	strace $0x8000004A  }
0x39: {  	s16 =	sand.u32 @!p5 $0x1, s14;
	s18 =	simm.s32 @p6 $0x0;
	_ =	swait.ge [sflag:s26], $0x80  }
0x3a: {  	p6 =	sne.s32 s12, $0x1;
	s31 =	sshll.u32 s22, $0xD;
	[sflag:s26] =	ssyncset.done $0x0  }
0x3b: {  	p2 =	por p5, p5;
	p5 =	sne.s32 s25, $0x320;
	[sflag:s26] =	ssyncadd.s32 $0xFFFFFF80  }
0x3c: {  	s20 =	sadd.s32 @!p2 $0x3, s16;
	s23 =	sor.u32 $0x420, s31;
	_ =	strace $0x9000004A  }
0x3d: {  	s16 =	simm.s32 $0x1;
	s9 =	simm.s32 $0x1;
	_ =	strace $0x8000004B  }
0x3e: {  	s16 =	simm.s32 @!p5 $0x0;
	p5 =	seq.s32 s25, $0x1;
	s30 =	rddreg [dreg:$0x4]  }
0x3f: {  	[tilespmem:s23], [sflag:$0x5] =	stream.indirect.gather [spmem:s1], $0x40, s24, s30, $0x2000b8;
	[tilespmem:$0x4420] =	vst v63  }
0x40: {  	s9 =	simm.s32 @!p3 $0x0;
	p5 =	por p5, p1;
	_ =	swait.ge [sflag:s10], $0x2000  }
.Ltmp0:
0x41: {  	p1 =	sne.s32 s13, s18;
	[sflag:s10] =	ssyncset.done $0x0;
	(pc) =	sbr.rel @p4 .LBB2_2-.Ltmp0, $4  }
0x42: {  	s21 =	sadd.s32 s9, s21;
	p3 =	por !p6, !p1;
	[sflag:s10] =	ssyncadd.s32 $0xFFFFE000  }
0x43: {  	s25 =	sshll.u32 @p5 s0, $0xA;
	p3 =	por !p3, !p3;
	_ =	strace $0x9000004B  }
0x44: {  	s26 =	sand.u32 @p3 $0x1, s21;
	s24 =	simm.s32 $0x1;
	_ =	strace @p5 $0x8000004C  }
0x45: {  	s29 =	sadd.s32 @p3 s5, s18;
	s24 =	simm.s32 @!p5 $0x0;
	s28 =	rddreg [dreg:$0x5]  }
0x46: {  	s0 =	sand.u32 @p5 $0x1FFFFC00, s25  }
0x47: {  	s9 =	simm.s32 @p5 $0x0;
	s15 =	sadd.s32 @p5 $0x3, s22;
	s0 =	sadd.s32 @p5 s28, s0  }
0x48: {  	[hbm4b:s0+s9] =	stream.linear.scatter @p5 [tilespmem:s23], [sflag:s15], $0x2000, $0x200038;
	[tilespmem:$0x4420] =	vst v63  }
0x49: {  	_ =	strace @p5 $0x9000004C  }
0x4a: {  	_ =	strace @!p2 $0x8000004D  }
0x4b: {  	_ =	swait.ge @!p2 [sflag:s20], $0x2000  }
0x4c: {  	s18 =	sadd.s32 @p3 $0x1, s26;
	s0 =	sshll.u32 @p3 s29, $0x4;
	[sflag:s20] =	ssyncset.done @!p2 $0x0  }
0x4d: {  	s9 =	sshll.u32 @p3 s26, $0x7;
	s23 =	sadd.s32 s24, s19;
	[sflag:s20] =	ssyncadd.s32 @!p2 $0xFFFFE000  }
0x4e: {  	s19 =	simm.s32 @p3 $0x0;
	s0 =	sand.u32 @p3 $0x1FFFFFF0, s0;
	_ =	strace @!p2 $0x9000004D  }
0x4f: {  	s9 =	sor.u32 @p3 $0x320, s9;
	s0 =	sadd.s32 @p3 s4, s0;
	_ =	strace @p3 $0x80000049  }
0x50: {  	[tilespmem:s9], [sflag:s18] =	stream.linear.gather @p3 [hbm4b:s0+s19], $0x80, $0x200038;
	[tilespmem:$0x4420] =	vst v63  }
0x51: {  	s25 =	sand.u32 $0x1, s23;
	_ =	strace @p3 $0x90000049  }
0x52: {  	s0 =	sadd.s32 $0x1, s25;
	_ =	strace $0x8000004A  }
0x53: {  	_ =	swait.ge [sflag:s0], $0x80  }
0x54: {  	[sflag:s0] =	ssyncset.done $0x0  }
0x55: {  	s26 =	sadd.s32 s24, s17;
	[sflag:s0] =	ssyncadd.s32 $0xFFFFFF80  }
0x56: {  	s28 =	sshll.u32 s23, $0x7;
	s0 =	sand.u32 $0x1, s26;
	_ =	strace $0x9000004A  }
0x57: {  	s9 =	sand.u32 $0x80, s28;
	s30 =	sshll.u32 s0, $0xD;
	_ =	strace $0x8000004B  }
0x58: {  	s9 =	sor.u32 $0x320, s9;
	s17 =	sor.u32 $0x420, s30;
	s29 =	rddreg [dreg:$0x4]  }
0x59: {  	[tilespmem:s17], [sflag:$0x5] =	stream.indirect.gather [spmem:s1], $0x40, s9, s29, $0x2000b8;
	[tilespmem:$0x4420] =	vst v63  }
0x5a: {  	_ =	swait.ge [sflag:s10], $0x2000  }
0x5b: {  	[sflag:s10] =	ssyncset.done $0x0  }
0x5c: {  	p6 =	seq.s32 s12, $0x1;
	[sflag:s10] =	ssyncadd.s32 $0xFFFFE000  }
0x5d: {  	p1 =	por p6, p1;
	s9 =	sadd.s32 s5, s13;
	_ =	strace $0x9000004B  }
0x5e: {  	s14 =	sadd.s32 s16, s14;
	s9 =	sshll.u32 @p1 s9, $0xA;
	_ =	strace @p1 $0x8000004C  }
0x5f: {  	s15 =	simm.s32 @p1 $0x0;
	s9 =	sand.u32 @p1 $0x1FFFFC00, s9;
	s13 =	rddreg [dreg:$0x5]  }
0x60: {  	p2 =	seq.s32 s12, $0x320;
	s0 =	sadd.s32 @p1 $0x3, s0;
	s9 =	sadd.s32 @p1 s13, s9  }
0x61: {  	[hbm4b:s9+s15] =	stream.linear.scatter @p1 [tilespmem:s17], [sflag:s0], $0x2000, $0x200038;
	[tilespmem:$0x4420] =	vst v63  }
0x62: {  	s0 =	sand.u32 @!p2 $0x1, s14;
	p2 =	por p2, p2;
	_ =	strace @p1 $0x9000004C  }
0x63: {  	s0 =	sadd.s32 @!p2 $0x3, s0;
	_ =	strace @!p2 $0x8000004D  }
0x64: {  	s9 =	simm.s32 $0x1;
	p1 =	sne.s32 s12, $0x320;
	_ =	swait.ge @!p2 [sflag:s0], $0x2000  }
0x65: {  	s9 =	simm.s32 @!p1 $0x0;
	[sflag:s0] =	ssyncset.done @!p2 $0x0  }
0x66: {  	s11 =	sadd.s32 $0x1, s11;
	s9 =	sadd.s32 s9, s14;
	[sflag:s0] =	ssyncadd.s32 @!p2 $0xFFFFE000  }
0x67: {  	p1 =	sne.s32 s11, s7;
	s31 =	sand.u32 $0x1, s9;
	_ =	strace @!p2 $0x9000004D  }
.Ltmp1:
0x68: {  	s0 =	sadd.s32 $0x3, s31;
	_ =	strace $0x8000004E;
	(pc) =	sbr.rel @p1 .LBB2_1-.Ltmp1, $4  }
0x69: {  	_ =	swait.ge [sflag:s0], $0x2000  }
0x6a: {  	[sflag:s0] =	ssyncset.done $0x0  }
0x6b: {  	[sflag:s0] =	ssyncadd.s32 $0xFFFFE000  }
0x6c: {  	_ =	strace $0x9000004E  }
0x6d: {  	_ =	sfence.sel $0x180000  }
0x6e: {  	[bflag:$0x0] =	sbarrier.arrive $0xFFFF  }
0x6f: {  	_ =	strace $0x90000047  }
0x70: {  	[bflag:$0x2] =	sbarrier.arrive $0xFFFF  }
0x71: {  	s0 =	rddreg [dreg:$0x3]  }
0x72: {  	s0 =	sadd.s32 @!p0 $0x100000, s0  }
0x73: {  	[sflag:s0] =	ssyncadd.tile.s32 @!p0 $0x1;
	_ =	shalt  }
.Lfunc_end2:
_tile_overlayer_lowered:
.L_overlay_start_2:
0x74: {  	(tag) =	ssettag $0x2  }
0x75: {  	s0 =	rddreg [dreg:$0x0];
	s2 =	stileid.u32  }
0x76: {  	s1 =	rddreg [dreg:$0x1];
	p0 =	sne.s32 s2, $0x0  }
0x77: {  	s3 =	rddreg [dreg:$0x2];
	[bflag:$0x3] =	sbarrier.arrive $0xFFFF;
	s2 =	simm.s32 @!p0 $0x1C01  }
0x78: {  	[timem:s3], [sflag:s2] =	dma.local @!p0 [hbm:s0], s1  }
0x79: {  	s0 =	simm.s32 @!p0 $0x1  }
0x7a: {  	_ =	swait.ge @!p0 [sflag:s0], s1  }
0x7b: {  	s1 =	ssub.s32 @!p0 $0x0, s1;
	[sflag:s0] =	ssyncset.done @!p0 $0x0  }
0x7c: {  	[sflag:s0] =	ssyncadd.s32 @!p0 s1  }
0x7d: {  	[bflag:$0x3] =	sbarrier.arrive $0xFFFF  }
0x7e: {  	_ =	shalt  }

// kernel: sparse-core-data-format-call.cloned.1.call-start
scs
called_computation_lowered:
.L_overlay_start_0:
0x0: {  	s2 =	sld [smem:$0x3FD9]  }
0x1: {  	s3 =	sld [smem:$0x3FFE];
	_ =	sdelay $0x1  }
0x2: {  	s1 =	srdreg.scid  }
0x3: {  	s0 =	sand.u32 $0x1, s1  }
0x4: {  	s18 =	sshll.u32 s0, $0xA;
	s2 =	sadd.s32 s3, s2  }
0x5: {  	s2 =	sadd.s32 s2, s18  }
0x6: {  	[smem:$0x3FC6] =	sst s2  }
0x7: {  	_ = 	snop  }
0x8: {  	s2 =	sld [smem:$0x3FD0];
	(tm) =	ssettm $0x1  }
0x9: {  	s19 =	sld [smem:$0x3FFB];
	_ =	sdelay $0x3  }
0xa: {  	_ =	strace s19  }
0xb: {  	s3 =	sld [smem:$0x3FFC];
	_ =	sdelay $0x3  }
0xc: {  	_ =	strace s3  }
0xd: {  	s3 =	sld [smem:$0x3FFD];
	_ =	sdelay $0x3  }
0xe: {  	_ =	strace s3  }
0xf: {  	_ =	strace $0x8FFFFFFF  }
0x10: {  	s20 =	sld [smem:$0x3FDB];
	_ =	sdelay $0x1  }
0x11: {  	s4 =	simm.s32 $_scs_section_size  }
0x12: {  	s5 =	simm.s32 $_size__tile_overlayer_lowered;
	s6 =	simm.s32 $_tile_overlayer_lowered  }
0x13: {  	s23 =	simm.s32 $0x1BFF;
	s22 =	sshll.u32 s6, $0x1;
	s3 =	sadd.s32 s4, s20  }
0x14: {  	s7 =	simm.s32 $0x0;
	s21 =	sshll.u32 s5, $0x1;
	s5 =	sadd.s32 s22, s3  }
0x15: {  	[timem:s7], [sflag:s23] =	dma.local [hbm:s5], s21  }
0x16: {  	_ =	swait.ge [sflag:s23], s21  }
0x17: {  	s4 =	ssub.s32 $0x0, s21;
	[sflag:s23] =	ssyncset.done $0x0  }
0x18: {  	[sflag:s23] =	ssyncadd.s32 s4;
	_ =	sdelay $0x1  }
0x19: {  	s24 =	simm.s32 $0x1B8B  }
0x1a: {  	_ =	swait.ge [sflag:s24], $0x1  }
0x1b: {  	[sflag:s24] =	ssyncset.done $0x0  }
0x1c: {  	s26 =	simm.s32 $0x1B8E;
	s25 =	sld [smem:$0x3FFE];
	[sflag:s24] =	ssyncadd.s32 $0xFFFFFFFF  }
0x1d: {  	s27 =	simm.s32 $execute0_lowered;
	[smem:$0x3FD2] =	sst s26  }
0x1e: {  	s5 =	sshll.u32 s27, $0x1;
	_ =	strace $0x80000050;
	[dreg:$0x1] =	wrdreg $0xFFFFFFFF  }
0x1f: {  	s28 =	simm.s32 $_size_execute0_lowered;
	s3 =	sadd.s32 s3, s5;
	[dreg:$0x0] =	wrdreg $0x0  }
0x20: {  	s5 =	sshll.u32 s28, $0x1;
	[dreg:$0x2] =	wrdreg s3  }
0x21: {  	[dreg:$0x3] =	wrdreg s5  }
0x22: {  	[dreg:$0x4] =	wrdreg $0xC0  }
0x23: {  	_ =	task [dreg:s7], $0x5FFFF  }
0x24: {  	[dreg:$0x1] =	wrdreg $0xFFFFFFFF  }
0x25: {  	[dreg:$0x0] =	wrdreg $0x60  }
0x26: {  	[dreg:$0x2] =	wrdreg s25  }
0x27: {  	[dreg:$0x3] =	wrdreg s2  }
0x28: {  	[dreg:$0x4] =	wrdreg $0x9  }
0x29: {  	_ =	task.clear_ibuf [dreg:s7], $0x5FFFF;
	_ =	strace $0x90000050  }
0x2a: {  	s29 =	simm.s32 $0x9;
	_ =	strace $0x80000052  }
0x2b: {  	_ =	swait.ge [sflag:s29], $0x1  }
0x2c: {  	[sflag:s29] =	ssyncadd.s32 $0xFFFFFFFF  }
0x2d: {  	_ =	strace $0x90000052  }
0x2e: {  	_ =	sfence  }
0x2f: {  	s30 =	sld [smem:$0x0];
	_ =	sdelay $0x2  }
0x30: {  	s31 =	sshll.u32 s1, $0xD;
	s1 =	sshrl.u32 s1, $0x2  }
0x31: {  	s3 =	sand.u32 $0x4000, s31;
	s1 =	sadd.s32 s1, s30  }
0x32: {  	s0 =	sor.u32 s3, s0;
	s1 =	sshll.u32 s1, $0x11  }
0x33: {  	s0 =	sor.u32 s1, s0  }
0x34: {  	s0 =	sadd.s32 $0x8F2B, s0  }
0x35: {  	[sflag:s0] =	ssyncadd.remote.s32 $0x1  }
0x36: {  	_ =	sfence.sel $0xFFFF  }
0x37: {  	[dreg:$0x0] =	wrdreg $0xFFFFFFFF;
	(pc) =	sbr.abs _section_cstart, $3  }
0x38: {  	[dreg:$0x1] =	wrdreg $0xFFFFFFFF  }
0x39: {  	_ =	task.clear_ibuf [dreg:s7], $0x2FFFF;
	_ =	strace $0x9FFFFFFF  }
0x3a: {  	(tm) =	ssettm $0x7FFFFFFF  }
0x3b: {  	_ =	shalt  }
tec
execute0_lowered:
.L_overlay_start_1:
0x0: {  	(tag) =	ssettag $0x1  }
0x1: {  	s0 =	srdreg.scid  }
0x2: {  	s1 =	sshll.u32 s0, $0x4  }
0x3: {  	s0 =	stileid.u32;
	s1 =	sand.u32 $0x10, s1  }
0x4: {  	s1 =	sor.u32 s0, s1  }
0x5: {  	s6 =	rddreg [dreg:$0x0];
	s4 =	simm.s32 $0x1;
	s2 =	sshll.u32 s1, $0x7  }
0x6: {  	s7 =	simm.s32 $0x2;
	s12 =	simm.s32 $0x0;
	s1 =	ssub.s32 $0x4000, s2  }
0x7: {  	s8 =	simm.s32 $0x20000;
	s13 =	simm.s32 $0x0;
	s3 =	sand.u32 $0xF80, s1  }
0x8: {  	s9 =	simm.s32 $0x0;
	s5 =	sshrl.u32 s1, $0xC;
	p0 =	sne.s32 s3, $0x0  }
.Ltmp0:
0x9: {  	s1 =	rddreg [dreg:$0x2];
	s4 =	simm.s32 @!p0 $0x0;
	(pc) =	sbr.rel .LBB1_1-.Ltmp0, $4  }
0xa: {  	s11 =	simm.s32 $0x0;
	s3 =	rddreg [dreg:$0x1];
	s5 =	sadd.s32 s4, s5  }
0xb: {  	_ =	strace $0x80000051;
	s4 =	simm.s32 $0x1;
	s5 =	smul.u32 $0xC8, s5  }
0xc: {  	s6 =	sadd.s32 $0x800, s6;
	s10 =	smov.u32 s2;
	[sflag:s4] =	ssyncpa.u1 $0x0  }
0xd: {  	p0 =	por $0x0, $0x0;
	[sflag:s7] =	ssyncpa.u1 $0x0;
	s7 =	sor.u32 $0x1, s5  }
.LBB1_4:
0xe: {  	s16 =	sshll.u32 s13, $0x3;
	s17 =	sand.u32 $0x78, s13  }
0xf: {  	s30 =	sand.u32 $0x1F800, s13;
	s12 =	sshll.u32 s12, $0x11;
	s16 =	sand.u32 $0x3C00, s16  }
0x10: {  	[tilespmem:s15+$0x810 ss:$0x81] =	vst.msk $0xffff, v2;
	s31 =	sand.u32 $0x7, s13;
	s16 =	sor.u32 s17, s16;
	s17 =	sadd.s32 s3, s30  }
0x11: {  	[tilespmem:s15+$0x1020 ss:$0x81] =	vst.msk $0xffff, v0;
	s13 =	sshll.u32 s31, $0x12;
	s12 =	sadd.s32 s12, s17;
	s16 =	sshrl.u32 s16, $0x3  }
0x12: {  	[tilespmem:s15+$0x0 ss:$0x81] =	vst.msk $0xffff, v1;
	s13 =	sor.u32 $0x400, s13;
	s12 =	sadd.s32 s16, s12  }
0x13: {  	[hbm4b:s12+s13] =	stream.strided.scatter [tilespmem:s14], [sflag:$0x2], $0x2000, s8, s13, $0x20;
	[tilespmem:$0x8080] =	vst v63  }
.LBB1_5:
0x14: {  	s14 =	sadd.s32 $0x1, s9  }
0x15: {  	s12 =	sadd.s32 $0x1000, s10;
	s16 =	smov.u32 s10;
	p2 =	sgt.s32 s14, $0xC7  }
0x16: {  	s16 =	smov.u32 @p2 s12  }
0x17: {  	s14 =	simm.s32 @p2 $0x0;
	p2 =	sgt.s32 s16, $0x3FFF  }
0x18: {  	s16 =	smov.u32 @p2 s2;
	p2 =	sne.s32 s11, s7  }
.Ltmp1:
0x19: {  	p1 =	slt.u32 s11, $0x2;
	(pc) =	sbr.rel @!p2 .LBB1_6-.Ltmp1, $4  }
0x1a: {  	s15 =	simm.s32 @!p1 $0x2  }
0x1b: {  	s13 =	smov.u32 s10;
	p0 =	por !p0, !p0;
	_ =	swait.ge @!p1 [sflag:s15], $0x2000  }
0x1c: {  	s12 =	smov.u32 s9;
	[sflag:s15] =	ssyncset.done @!p1 $0x0;
	s9 =	smov.u32 s14  }
0x1d: {  	s11 =	sadd.s32 $0x1, s11;
	[sflag:s15] =	ssyncadd.s32 @!p1 $0xFFFFE000;
	s10 =	smov.u32 s16  }
.LBB1_1:
0x1e: {  	p1 =	sge.u32 s11, s5  }
0x1f: {  	s14 =	sand.u32 @!p1 $0x1FFFFFF, s9  }
0x20: {  	s15 =	smulhi.u32 @!p1 $0x147AE15, s14;
	_ =	sdelay $0x1  }
0x21: {  	s15 =	smul.u32 @!p1 $0xC8, s15  }
0x22: {  	s16 =	sxor.u32 @!p1 $0xFFFFFFFF, s11;
	s17 =	smul.u32 @!p1 $0xC80, s10  }
0x23: {  	s31 =	sadd.s32 $0xFFFFFFFF, s11;
	s16 =	sshll.u32 @!p1 s16, $0xD;
	s14 =	ssub.s32 @!p1 s14, s15  }
0x24: {  	s15 =	sand.u32 @!p1 $0x2000, s16;
	s16 =	sadd.s32 @!p1 s6, s17;
	s14 =	sshll.u32 @!p1 s14, $0x4  }
0x25: {  	s17 =	simm.s32 @!p1 $0x6400;
	s14 =	sadd.s32 @!p1 s14, s16;
	s16 =	simm.s32 @!p1 $0x40  }
0x26: {  	[tilespmem:s15], [sflag:$0x1] =	stream.strided.gather @!p1 [hbm4b:s14+s16], $0x2000, s17, s16, $0x38;
	[tilespmem:$0x8080] =	vst v63  }
0x27: {  	p1 =	sge.u32 s31, s5  }
.Ltmp2:
0x28: {  	_ = 	snop;
	(pc) =	sbr.rel @p1 .LBB1_5-.Ltmp2, $1  }
0x29: {  	_ =	sdelay $0x3  }
0x2a: {  	s14 =	simm.s32 $0x1  }
0x2b: {  	_ =	swait.ge [sflag:s4], $0x2000;
	s14 =	simm.s32 @!p0 $0x0  }
0x2c: {  	[sflag:s4] =	ssyncset.done $0x0;
	s15 =	sshll.u32 s14, $0xD  }
0x2d: {  	[sflag:s4] =	ssyncadd.s32 $0xFFFFE000;
	s18 =	sor.u32 $0x20, s15  }
0x2e: {  	s14 =	smul.u32 $0x8100, s14;
	v3 =	vld [tilespmem:s18+$0x10]  }
0x2f: {  	s30 =	sand.u32 $0x1, s11;
	v2 =	vld [tilespmem:s18+$0xFFFFFFF0]  }
0x30: {  	s15 =	smul.u32 $0x8100, s30;
	s14 =	sshrl.u32 s14, $0x2;
	v0 =	vld [tilespmem:s18+$0x0]  }
0x31: {  	v1 =	vld [tilespmem:s18+$0xFFFFFFE0];
	s16 =	sor.u32 $0x4000, s14  }
0x32: {  	s31 =	sshrl.u32 s15, $0x2;
	s15 =	sadd.s32 $0x0, s16  }
0x33: {  	s17 =	simm.s32 $0x4;
	s18 =	sadd.s32 $0x40, s18;
	s14 =	sor.u32 $0x4000, s31;
	[tilespmem:s15+$0x1830 ss:$0x81] =	vst.msk $0xffff, v3  }
.LBB1_3:
0x34: {  	v3 =	vld [tilespmem:s18+$0x10];
	p1 =	sne.s32 s17, $0x1FC;
	[tilespmem:s15+$0x810 ss:$0x81] =	vst.msk $0xffff, v2;
	s19 =	smov.u32 s17;
	s17 =	sadd.s32 $0x4, s17  }
.Ltmp3:
0x35: {  	v2 =	vld [tilespmem:s18+$0xFFFFFFF0];
	[tilespmem:s15+$0x1020 ss:$0x81] =	vst.msk $0xffff, v0;
	(pc) =	sbr.rel @p1 .LBB1_3-.Ltmp3, $4  }
0x36: {  	v0 =	vld [tilespmem:s18+$0x0];
	[tilespmem:s15+$0x0 ss:$0x81] =	vst.msk $0xffff, v1  }
0x37: {  	s15 =	sshra.s32 s19, $0x2;
	v1 =	vld [tilespmem:s18+$0xFFFFFFE0]  }
0x38: {  	s15 =	sadd.s32 s15, s16  }
0x39: {  	s18 =	sadd.s32 $0x40, s18;
	[tilespmem:s15+$0x1830 ss:$0x81] =	vst.msk $0xffff, v3  }
.Ltmp4:
0x3a: {  	_ = 	snop;
	(pc) =	sbr.rel .LBB1_4-.Ltmp4, $1  }
0x3b: {  	_ =	sdelay $0x3  }
.LBB1_6:
0x3c: {  	_ =	sfence.sel $0x180000  }
0x3d: {  	s2 =	simm.s32 $0x1;
	[bflag:$0x0] =	sbarrier.arrive $0xFFFF  }
0x3e: {  	s31 =	simm.s32 $0x2;
	[sflag:s2] =	ssyncpa.u1 $0x1  }
0x3f: {  	[sflag:s31] =	ssyncpa.u1 $0x1  }
0x40: {  	p0 =	sne.s32 s0, $0x0;
	_ =	strace $0x90000051  }
0x41: {  	s0 =	sadd.s32 @!p0 $0x100000, s1;
	[bflag:$0x2] =	sbarrier.arrive $0xFFFF  }
0x42: {  	[sflag:s0] =	ssyncadd.tile.s32 @!p0 $0x1;
	_ =	shalt  }
.Lfunc_end1:
_tile_overlayer_lowered:
.L_overlay_start_2:
0x43: {  	(tag) =	ssettag $0x2  }
0x44: {  	s0 =	rddreg [dreg:$0x0];
	s2 =	stileid.u32  }
0x45: {  	s1 =	rddreg [dreg:$0x1];
	p0 =	sne.s32 s2, $0x0  }
0x46: {  	s3 =	rddreg [dreg:$0x2];
	[bflag:$0x3] =	sbarrier.arrive $0xFFFF;
	s2 =	simm.s32 @!p0 $0x1C01  }
0x47: {  	[timem:s3], [sflag:s2] =	dma.local @!p0 [hbm:s0], s1  }
0x48: {  	s0 =	simm.s32 @!p0 $0x1  }
0x49: {  	_ =	swait.ge @!p0 [sflag:s0], s1  }
0x4a: {  	s1 =	ssub.s32 @!p0 $0x0, s1;
	[sflag:s0] =	ssyncset.done @!p0 $0x0  }
0x4b: {  	[sflag:s0] =	ssyncadd.s32 @!p0 s1  }
0x4c: {  	[bflag:$0x3] =	sbarrier.arrive $0xFFFF  }
0x4d: {  	_ =	shalt  }

</sc_bundles>
